<compile_context>
chip_gen: v7x
topology: tpu7x:2x2x1
jax: 0.10.2.dev20260603
libtpu: 0.0.44.dev20260713+nightly
codegen_flags: <defaults>
</compile_context>

<pallas_src>
import functools

import jax
import jax.numpy as jnp
from jax import lax
from jax.experimental import pallas as pl
from jax.experimental.pallas import tpu as pltpu
from jax.experimental.pallas import tpu_sc as plsc

K = 1024
D = 64
BETA = 0.25
N = 8192
BLK = 4096
NBLK = N // BLK

NC = 2
NS = 16
NW = NC * NS
RPW = N // NW
CH = 128
NCH = RPW // CH


def _main_body(z_ref, cb_ref, idx_ref, loss_ref, perp_ref,
               c2_s, hist_s, lsum_s):
    i = pl.program_id(0)
    cb = cb_ref[...]

    @pl.when(i == 0)
    def _init():
        c2 = jnp.sum(cb * cb, axis=1)
        c2_s[...] = c2[None, :]
        hist_s[...] = jnp.zeros((1, K), jnp.float32)
        lsum_s[0] = 0.0

    zt = z_ref[...]
    z = jnp.concatenate(
        [lax.transpose(zt[b], (1, 0)) for b in range(8)], axis=0)
    s = lax.dot_general(z, cb, (((1,), (1,)), ((), ())),
                        preferred_element_type=jnp.float32)
    z2 = jnp.sum(z * z, axis=1, keepdims=True)
    d = z2 + c2_s[...] - 2.0 * s
    mind = jnp.min(d, axis=1)
    iota1 = lax.broadcasted_iota(jnp.int32, (1, K), 1)
    idx = jnp.min(jnp.where(d == mind[:, None], iota1, K), axis=1)
    idx_ref[...] = idx.reshape(8, BLK // 8)
    lsum_s[0] += jnp.sum(mind)
    eqf = (idx[:, None] == iota1).astype(jnp.float32)
    ones_row = jnp.ones((1, BLK), jnp.float32)
    counts_blk = lax.dot_general(ones_row, eqf, (((1,), (0,)), ((), ())),
                                 preferred_element_type=jnp.float32)
    hist_s[...] += counts_blk

    @pl.when(i == NBLK - 1)
    def _fin():
        m = lsum_s[0] / float(N * D)
        counts = hist_s[...]
        e = counts * (1.0 / float(N))
        ent = jnp.sum(e * jnp.log(e + 1e-10))
        loss_ref[...] = jnp.full((1, 1), m + BETA * m, jnp.float32)
        perp_ref[...] = jnp.full((1, 1), jnp.exp(-ent), jnp.float32)


def _tc_main(z_t, codebook):
    tok = BLK // 8
    return pl.pallas_call(
        _main_body,
        grid=(NBLK,),
        in_specs=[
            pl.BlockSpec((8, D, tok), lambda i: (0, 0, i)),
            pl.BlockSpec((K, D), lambda i: (0, 0)),
        ],
        out_specs=[
            pl.BlockSpec((8, tok), lambda i: (0, i)),
            pl.BlockSpec((1, 1), lambda i: (0, 0)),
            pl.BlockSpec((1, 1), lambda i: (0, 0)),
        ],
        out_shape=[
            jax.ShapeDtypeStruct((8, 1024), jnp.int32),
            jax.ShapeDtypeStruct((1, 1), jnp.float32),
            jax.ShapeDtypeStruct((1, 1), jnp.float32),
        ],
        scratch_shapes=[
            pltpu.VMEM((1, K), jnp.float32),
            pltpu.VMEM((1, K), jnp.float32),
            pltpu.SMEM((1,), jnp.float32),
        ],
    )(z_t, codebook)


def _sc_gather_body(cb_hbm, idx_hbm, zq_hbm, idx_v, rows_v, sem):
    wid = lax.axis_index("s") * NC + lax.axis_index("c")
    base = wid * RPW
    b = wid // (1024 // RPW)
    t0 = (wid % (1024 // RPW)) * RPW
    del base
    for c in range(NCH):
        pltpu.sync_copy(idx_hbm.at[b, pl.ds(t0 + c * CH, CH)], idx_v.at[c])
    copies = [pltpu.async_copy(cb_hbm.at[idx_v.at[c]], rows_v.at[c], sem)
              for c in range(NCH)]
    for c in range(NCH):
        copies[c].wait()
        pltpu.sync_copy(rows_v.at[c], zq_hbm.at[b, pl.ds(t0 + c * CH, CH)])


def _sc_gather(codebook, idx2):
    mesh = plsc.VectorSubcoreMesh(core_axis_name="c", subcore_axis_name="s")
    f = functools.partial(
        pl.kernel,
        mesh=mesh,
        out_type=jax.ShapeDtypeStruct((8, 1024, D), jnp.float32),
        scratch_types=[
            pltpu.VMEM((NCH, CH), jnp.int32),
            pltpu.VMEM((NCH, CH, D), jnp.float32),
            pltpu.SemaphoreType.DMA,
        ],
        compiler_params=pltpu.CompilerParams(
            needs_layout_passes=False, use_tc_tiling_on_sc=False),
    )(_sc_gather_body)
    return f(codebook, idx2)


def kernel(z, codebook):
    z_t = jnp.transpose(z, (0, 2, 1))
    indices, loss2, perp2 = _tc_main(z_t, codebook)
    z_q_st = _sc_gather(codebook, indices)
    return (loss2[0, 0], z_q_st, perp2[0, 0], indices)

# --- scband reference (transcript-rebuilt; emitter-appended) ---
"""Pipeline reference for scband-vector-quantizer-11579231830280 (READ-ONLY COPY).

The authoritative reference and input builder live on the scoring server;
editing this copy changes nothing except your own understanding.
"""

import jax, jax.numpy as jnp
import numpy as np

K = 1024
D = 64
BETA = 0.25


def setup_inputs(seed: int = 0) -> dict:
    key = jax.random.key(seed)
    kz, kw = jax.random.split(key)
    z = jax.random.normal(kz, (8, 1024, D), dtype=jnp.float32)
    codebook = jax.random.uniform(kw, (K, D), dtype=jnp.float32, minval=-1.0 / K, maxval=1.0 / K)
    return {"z": z, "codebook": codebook}


def reference(z, codebook):
    z_flat = z.reshape(-1, D)
    d = (jnp.sum(z_flat ** 2, axis=1, keepdims=True)
         + jnp.sum(codebook ** 2, axis=1)
         - 2.0 * jnp.matmul(z_flat, codebook.T))
    min_encoding_indices = jnp.argmin(d, axis=1)
    min_encodings = jax.nn.one_hot(min_encoding_indices, K, dtype=jnp.float32)
    z_q = jnp.matmul(min_encodings, codebook).reshape(z.shape)
    loss = (jnp.mean((jax.lax.stop_gradient(z_q) - z) ** 2)
            + BETA * jnp.mean((z_q - jax.lax.stop_gradient(z)) ** 2))
    z_q_st = z + jax.lax.stop_gradient(z_q - z)
    e_mean = jnp.mean(min_encodings, axis=0)
    perplexity = jnp.exp(-jnp.sum(e_mean * jnp.log(e_mean + 1e-10)))
    return (loss, z_q_st, perplexity, min_encoding_indices.reshape(z.shape[:-1]))

if __name__ == "__main__":
    import jax
    _d = setup_inputs()
    print(jax.jit(kernel)(*tuple(_d.values())))

</pallas_src>

<mosaic_0001>
#map = affine_map<(d0, d1) -> (0, 0)>
#map1 = affine_map<(d0, d1) -> (0, 0, 0)>
module attributes {stable_mosaic.version = 14 : i64} {
  func.func @_sc_gather_body(%arg0: i32, %arg1: i32, %arg2: memref<1024x64xf32, #tpu.memory_space<hbm>>, %arg3: memref<8x1024xi32, #tpu.memory_space<hbm>>, %arg4: memref<8x1024x64xf32, #tpu.memory_space<hbm>>, %arg5: memref<2x128xi32, #tpu.memory_space<vmem>>, %arg6: memref<2x128x64xf32, #tpu.memory_space<vmem>>, %arg7: memref<!tpu.dma_semaphore, #tpu.memory_space<semaphore_mem>>) attributes {dimension_semantics = [#tpu.dimension_semantics<core_parallel>, #tpu.dimension_semantics<subcore_parallel>], iteration_bounds = array<i64: 2, 16>, scalar_prefetch = 0 : i64, scratch_operands = 3 : i64, tpu.core_type = #tpu.core_type<sc_vector_subcore>, window_params = [{transform_indices = #map}, {transform_indices = #map}, {transform_indices = #map1}]} {
    %mul3A = arith.constant 2 : i32
    %mul3A_0 = arith.muli %arg1, %mul3A : i32
    %add3A = arith.addi %mul3A_0, %arg0 : i32
    %mul3A_1 = arith.constant 256 : i32
    %mul3A_2 = arith.muli %add3A, %mul3A_1 : i32
    %jit3A = arith.constant 4 : i32
    %div3A = arith.divsi %add3A, %jit3A : i32
    %sign3A = arith.constant 0 : i32
    %sign3A_3 = arith.cmpi sgt, %add3A, %sign3A : i32
    %sign3A_4 = arith.extui %sign3A_3 : i1 to i32
    %sign3A_5 = arith.constant 0 : i32
    %sign3A_6 = arith.cmpi slt, %add3A, %sign3A_5 : i32
    %sign3A_7 = arith.extui %sign3A_6 : i1 to i32
    %sign3A_8 = arith.subi %sign3A_4, %sign3A_7 : i32
    %sign3A_9 = arith.constant 0 : i32
    %sign3A_10 = arith.cmpi sgt, %jit3A, %sign3A_9 : i32
    %sign3A_11 = arith.extui %sign3A_10 : i1 to i32
    %sign3A_12 = arith.constant 0 : i32
    %sign3A_13 = arith.cmpi slt, %jit3A, %sign3A_12 : i32
    %sign3A_14 = arith.extui %sign3A_13 : i1 to i32
    %sign3A_15 = arith.subi %sign3A_11, %sign3A_14 : i32
    %ne3A = arith.cmpi ne, %sign3A_8, %sign3A_15 : i32
    %rem3A = arith.remsi %add3A, %jit3A : i32
    %ne3A_16 = arith.constant 0 : i32
    %ne3A_17 = arith.cmpi ne, %rem3A, %ne3A_16 : i32
    %and3A = arith.andi %ne3A, %ne3A_17 : i1
    %sub3A = arith.constant 1 : i32
    %sub3A_18 = arith.subi %div3A, %sub3A : i32
    %select_n3A = arith.select %and3A, %sub3A_18, %div3A : i32
    %jit3A_19 = arith.constant 4 : i32
    %eq3A = arith.constant 0 : i32
    %eq3A_20 = arith.cmpi eq, %jit3A_19, %eq3A : i32
    %jit3A_21 = arith.constant 1 : i32
    %select_n3A_22 = arith.select %eq3A_20, %jit3A_21, %jit3A_19 : i32
    %rem3A_23 = arith.remsi %add3A, %select_n3A_22 : i32
    %ne3A_24 = arith.constant 0 : i32
    %ne3A_25 = arith.cmpi ne, %rem3A_23, %ne3A_24 : i32
    %lt3A = arith.constant 0 : i32
    %lt3A_26 = arith.cmpi slt, %rem3A_23, %lt3A : i32
    %lt3A_27 = arith.constant 0 : i32
    %lt3A_28 = arith.cmpi slt, %select_n3A_22, %lt3A_27 : i32
    %ne3A_29 = arith.xori %lt3A_26, %lt3A_28 : i1
    %and3A_30 = arith.andi %ne3A_29, %ne3A_25 : i1
    %add3A_31 = arith.addi %rem3A_23, %select_n3A_22 : i32
    %select_n3A_32 = arith.select %and3A_30, %add3A_31, %rem3A_23 : i32
    %mul3A_33 = arith.constant 256 : i32
    %mul3A_34 = arith.muli %select_n3A_32, %mul3A_33 : i32
    %add3A_35 = arith.constant 0 : i32
    %add3A_36 = arith.addi %mul3A_34, %add3A_35 : i32
    %run_scoped3A = arith.constant 0 : i32
    "tpu.region"() ({
      %run_scoped3A_92 = tpu.sem_alloc : memref<!tpu.dma_semaphore, #tpu.memory_space<semaphore_mem>>
      %dma_start3A_93 = arith.constant 0 : i32
      %dma_start3A_94 = tpu.memref_slice %arg5[%run_scoped3A, %dma_start3A_93] : memref<2x128xi32, #tpu.memory_space<vmem>> -> memref<1x128xi32, #tpu.memory_space<vmem>>
      %dma_start3A_95 = tpu.memref_squeeze %dma_start3A_94 : memref<1x128xi32, #tpu.memory_space<vmem>> -> memref<128xi32, #tpu.memory_space<vmem>>
      %dma_start3A_96 = tpu.memref_slice %arg3[%select_n3A, %add3A_36] : memref<8x1024xi32, #tpu.memory_space<hbm>> -> memref<1x128xi32, #tpu.memory_space<hbm>>
      %dma_start3A_97 = tpu.memref_squeeze %dma_start3A_96 : memref<1x128xi32, #tpu.memory_space<hbm>> -> memref<128xi32, #tpu.memory_space<hbm>>
      %dma_start3A_98 = arith.constant 0 : i32
      %dma_start3A_99 = tpu.memref_slice %arg5[%run_scoped3A, %dma_start3A_98] : memref<2x128xi32, #tpu.memory_space<vmem>> -> memref<1x128xi32, #tpu.memory_space<vmem>>
      %dma_start3A_100 = tpu.memref_squeeze %dma_start3A_99 : memref<1x128xi32, #tpu.memory_space<vmem>> -> memref<128xi32, #tpu.memory_space<vmem>>
      %dma_start3A_101 = tpu.memref_slice %arg3[%select_n3A, %add3A_36] : memref<8x1024xi32, #tpu.memory_space<hbm>> -> memref<1x128xi32, #tpu.memory_space<hbm>>
      %dma_start3A_102 = tpu.memref_squeeze %dma_start3A_101 : memref<1x128xi32, #tpu.memory_space<hbm>> -> memref<128xi32, #tpu.memory_space<hbm>>
      tpu.enqueue_dma source(%dma_start3A_102 : memref<128xi32, #tpu.memory_space<hbm>>) target(%dma_start3A_100 : memref<128xi32, #tpu.memory_space<vmem>>) target_semaphore(%run_scoped3A_92 : memref<!tpu.dma_semaphore, #tpu.memory_space<semaphore_mem>>)
      %dma_wait3A_103 = arith.constant 0 : i32
      %dma_wait3A_104 = tpu.memref_slice %arg5[%run_scoped3A, %dma_wait3A_103] : memref<2x128xi32, #tpu.memory_space<vmem>> -> memref<1x128xi32, #tpu.memory_space<vmem>>
      %dma_wait3A_105 = tpu.memref_squeeze %dma_wait3A_104 : memref<1x128xi32, #tpu.memory_space<vmem>> -> memref<128xi32, #tpu.memory_space<vmem>>
      %dma_wait3A_106 = tpu.memref_slice %arg3[%select_n3A, %add3A_36] : memref<8x1024xi32, #tpu.memory_space<hbm>> -> memref<1x128xi32, #tpu.memory_space<hbm>>
      %dma_wait3A_107 = tpu.memref_squeeze %dma_wait3A_106 : memref<1x128xi32, #tpu.memory_space<hbm>> -> memref<128xi32, #tpu.memory_space<hbm>>
      %dma_wait3A_108 = arith.constant 0 : i32
      %dma_wait3A_109 = tpu.memref_slice %arg5[%run_scoped3A, %dma_wait3A_108] : memref<2x128xi32, #tpu.memory_space<vmem>> -> memref<1x128xi32, #tpu.memory_space<vmem>>
      %dma_wait3A_110 = tpu.memref_squeeze %dma_wait3A_109 : memref<1x128xi32, #tpu.memory_space<vmem>> -> memref<128xi32, #tpu.memory_space<vmem>>
      %dma_wait3A_111 = tpu.memref_slice %arg3[%select_n3A, %add3A_36] : memref<8x1024xi32, #tpu.memory_space<hbm>> -> memref<1x128xi32, #tpu.memory_space<hbm>>
      %dma_wait3A_112 = tpu.memref_squeeze %dma_wait3A_111 : memref<1x128xi32, #tpu.memory_space<hbm>> -> memref<128xi32, #tpu.memory_space<hbm>>
      tpu.wait_dma2 semaphore(%run_scoped3A_92 : memref<!tpu.dma_semaphore, #tpu.memory_space<semaphore_mem>>) src(%dma_wait3A_112 : memref<128xi32, #tpu.memory_space<hbm>>) dst(%dma_wait3A_110 : memref<128xi32, #tpu.memory_space<vmem>>)
      tpu.yield
    }) : () -> ()
    %add3A_37 = arith.constant 128 : i32
    %add3A_38 = arith.addi %mul3A_34, %add3A_37 : i32
    %run_scoped3A_39 = arith.constant 1 : i32
    "tpu.region"() ({
      %run_scoped3A_92 = tpu.sem_alloc : memref<!tpu.dma_semaphore, #tpu.memory_space<semaphore_mem>>
      %dma_start3A_93 = arith.constant 0 : i32
      %dma_start3A_94 = tpu.memref_slice %arg5[%run_scoped3A_39, %dma_start3A_93] : memref<2x128xi32, #tpu.memory_space<vmem>> -> memref<1x128xi32, #tpu.memory_space<vmem>>
      %dma_start3A_95 = tpu.memref_squeeze %dma_start3A_94 : memref<1x128xi32, #tpu.memory_space<vmem>> -> memref<128xi32, #tpu.memory_space<vmem>>
      %dma_start3A_96 = tpu.memref_slice %arg3[%select_n3A, %add3A_38] : memref<8x1024xi32, #tpu.memory_space<hbm>> -> memref<1x128xi32, #tpu.memory_space<hbm>>
      %dma_start3A_97 = tpu.memref_squeeze %dma_start3A_96 : memref<1x128xi32, #tpu.memory_space<hbm>> -> memref<128xi32, #tpu.memory_space<hbm>>
      %dma_start3A_98 = arith.constant 0 : i32
      %dma_start3A_99 = tpu.memref_slice %arg5[%run_scoped3A_39, %dma_start3A_98] : memref<2x128xi32, #tpu.memory_space<vmem>> -> memref<1x128xi32, #tpu.memory_space<vmem>>
      %dma_start3A_100 = tpu.memref_squeeze %dma_start3A_99 : memref<1x128xi32, #tpu.memory_space<vmem>> -> memref<128xi32, #tpu.memory_space<vmem>>
      %dma_start3A_101 = tpu.memref_slice %arg3[%select_n3A, %add3A_38] : memref<8x1024xi32, #tpu.memory_space<hbm>> -> memref<1x128xi32, #tpu.memory_space<hbm>>
      %dma_start3A_102 = tpu.memref_squeeze %dma_start3A_101 : memref<1x128xi32, #tpu.memory_space<hbm>> -> memref<128xi32, #tpu.memory_space<hbm>>
      tpu.enqueue_dma source(%dma_start3A_102 : memref<128xi32, #tpu.memory_space<hbm>>) target(%dma_start3A_100 : memref<128xi32, #tpu.memory_space<vmem>>) target_semaphore(%run_scoped3A_92 : memref<!tpu.dma_semaphore, #tpu.memory_space<semaphore_mem>>)
      %dma_wait3A_103 = arith.constant 0 : i32
      %dma_wait3A_104 = tpu.memref_slice %arg5[%run_scoped3A_39, %dma_wait3A_103] : memref<2x128xi32, #tpu.memory_space<vmem>> -> memref<1x128xi32, #tpu.memory_space<vmem>>
      %dma_wait3A_105 = tpu.memref_squeeze %dma_wait3A_104 : memref<1x128xi32, #tpu.memory_space<vmem>> -> memref<128xi32, #tpu.memory_space<vmem>>
      %dma_wait3A_106 = tpu.memref_slice %arg3[%select_n3A, %add3A_38] : memref<8x1024xi32, #tpu.memory_space<hbm>> -> memref<1x128xi32, #tpu.memory_space<hbm>>
      %dma_wait3A_107 = tpu.memref_squeeze %dma_wait3A_106 : memref<1x128xi32, #tpu.memory_space<hbm>> -> memref<128xi32, #tpu.memory_space<hbm>>
      %dma_wait3A_108 = arith.constant 0 : i32
      %dma_wait3A_109 = tpu.memref_slice %arg5[%run_scoped3A_39, %dma_wait3A_108] : memref<2x128xi32, #tpu.memory_space<vmem>> -> memref<1x128xi32, #tpu.memory_space<vmem>>
      %dma_wait3A_110 = tpu.memref_squeeze %dma_wait3A_109 : memref<1x128xi32, #tpu.memory_space<vmem>> -> memref<128xi32, #tpu.memory_space<vmem>>
      %dma_wait3A_111 = tpu.memref_slice %arg3[%select_n3A, %add3A_38] : memref<8x1024xi32, #tpu.memory_space<hbm>> -> memref<1x128xi32, #tpu.memory_space<hbm>>
      %dma_wait3A_112 = tpu.memref_squeeze %dma_wait3A_111 : memref<1x128xi32, #tpu.memory_space<hbm>> -> memref<128xi32, #tpu.memory_space<hbm>>
      tpu.wait_dma2 semaphore(%run_scoped3A_92 : memref<!tpu.dma_semaphore, #tpu.memory_space<semaphore_mem>>) src(%dma_wait3A_112 : memref<128xi32, #tpu.memory_space<hbm>>) dst(%dma_wait3A_110 : memref<128xi32, #tpu.memory_space<vmem>>)
      tpu.yield
    }) : () -> ()
    %dma_start3A = arith.constant 0 : i32
    %dma_start3A_40 = arith.constant 0 : i32
    %dma_start3A_41 = arith.constant 0 : i32
    %dma_start3A_42 = arith.constant 0 : i32
    %dma_start3A_43 = tpu.memref_slice %arg6[%dma_start3A_40, %dma_start3A_41, %dma_start3A_42] : memref<2x128x64xf32, #tpu.memory_space<vmem>> -> memref<1x128x64xf32, #tpu.memory_space<vmem>>
    %dma_start3A_44 = tpu.memref_squeeze %dma_start3A_43 : memref<1x128x64xf32, #tpu.memory_space<vmem>> -> memref<128x64xf32, #tpu.memory_space<vmem>>
    %dma_start3A_45 = arith.constant 0 : i32
    %dma_start3A_46 = tpu.memref_slice %arg5[%dma_start3A, %dma_start3A_45] : memref<2x128xi32, #tpu.memory_space<vmem>> -> memref<1x128xi32, #tpu.memory_space<vmem>>
    %dma_start3A_47 = tpu.memref_squeeze %dma_start3A_46 : memref<1x128xi32, #tpu.memory_space<vmem>> -> memref<128xi32, #tpu.memory_space<vmem>>
    %dma_start3A_48 = arith.constant 0 : i32
    %dma_start3A_49 = arith.constant 0 : i32
    %dma_start3A_50 = tpu.memref_slice %arg2[%dma_start3A_48, %dma_start3A_49] : memref<1024x64xf32, #tpu.memory_space<hbm>> -> memref<1024x64xf32, #tpu.memory_space<hbm>>
    tpu.enqueue_indirect_dma source(%dma_start3A_50 : memref<1024x64xf32, #tpu.memory_space<hbm>>) target(%dma_start3A_44 : memref<128x64xf32, #tpu.memory_space<vmem>>) offsets(%dma_start3A_47 : memref<128xi32, #tpu.memory_space<vmem>>) semaphore(%arg7 : memref<!tpu.dma_semaphore, #tpu.memory_space<semaphore_mem>>)
    %dma_start3A_51 = arith.constant 1 : i32
    %dma_start3A_52 = arith.constant 1 : i32
    %dma_start3A_53 = arith.constant 0 : i32
    %dma_start3A_54 = arith.constant 0 : i32
    %dma_start3A_55 = tpu.memref_slice %arg6[%dma_start3A_52, %dma_start3A_53, %dma_start3A_54] : memref<2x128x64xf32, #tpu.memory_space<vmem>> -> memref<1x128x64xf32, #tpu.memory_space<vmem>>
    %dma_start3A_56 = tpu.memref_squeeze %dma_start3A_55 : memref<1x128x64xf32, #tpu.memory_space<vmem>> -> memref<128x64xf32, #tpu.memory_space<vmem>>
    %dma_start3A_57 = arith.constant 0 : i32
    %dma_start3A_58 = tpu.memref_slice %arg5[%dma_start3A_51, %dma_start3A_57] : memref<2x128xi32, #tpu.memory_space<vmem>> -> memref<1x128xi32, #tpu.memory_space<vmem>>
    %dma_start3A_59 = tpu.memref_squeeze %dma_start3A_58 : memref<1x128xi32, #tpu.memory_space<vmem>> -> memref<128xi32, #tpu.memory_space<vmem>>
    %dma_start3A_60 = arith.constant 0 : i32
    %dma_start3A_61 = arith.constant 0 : i32
    %dma_start3A_62 = tpu.memref_slice %arg2[%dma_start3A_60, %dma_start3A_61] : memref<1024x64xf32, #tpu.memory_space<hbm>> -> memref<1024x64xf32, #tpu.memory_space<hbm>>
    tpu.enqueue_indirect_dma source(%dma_start3A_62 : memref<1024x64xf32, #tpu.memory_space<hbm>>) target(%dma_start3A_56 : memref<128x64xf32, #tpu.memory_space<vmem>>) offsets(%dma_start3A_59 : memref<128xi32, #tpu.memory_space<vmem>>) semaphore(%arg7 : memref<!tpu.dma_semaphore, #tpu.memory_space<semaphore_mem>>)
    %dma_wait3A = arith.constant 0 : i32
    %dma_wait3A_63 = arith.constant 0 : i32
    %dma_wait3A_64 = arith.constant 0 : i32
    %dma_wait3A_65 = arith.constant 0 : i32
    %dma_wait3A_66 = tpu.memref_slice %arg6[%dma_wait3A_63, %dma_wait3A_64, %dma_wait3A_65] : memref<2x128x64xf32, #tpu.memory_space<vmem>> -> memref<1x128x64xf32, #tpu.memory_space<vmem>>
    %dma_wait3A_67 = tpu.memref_squeeze %dma_wait3A_66 : memref<1x128x64xf32, #tpu.memory_space<vmem>> -> memref<128x64xf32, #tpu.memory_space<vmem>>
    %dma_wait3A_68 = arith.constant 0 : i32
    %dma_wait3A_69 = tpu.memref_slice %arg5[%dma_wait3A, %dma_wait3A_68] : memref<2x128xi32, #tpu.memory_space<vmem>> -> memref<1x128xi32, #tpu.memory_space<vmem>>
    %dma_wait3A_70 = tpu.memref_squeeze %dma_wait3A_69 : memref<1x128xi32, #tpu.memory_space<vmem>> -> memref<128xi32, #tpu.memory_space<vmem>>
    %dma_wait3A_71 = arith.constant 0 : i32
    %dma_wait3A_72 = arith.constant 0 : i32
    %dma_wait3A_73 = tpu.memref_slice %arg2[%dma_wait3A_71, %dma_wait3A_72] : memref<1024x64xf32, #tpu.memory_space<hbm>> -> memref<1024x64xf32, #tpu.memory_space<hbm>>
    tpu.wait_indirect_dma semaphore(%arg7 : memref<!tpu.dma_semaphore, #tpu.memory_space<semaphore_mem>>) src(%dma_wait3A_73 : memref<1024x64xf32, #tpu.memory_space<hbm>>) dst(%dma_wait3A_67 : memref<128x64xf32, #tpu.memory_space<vmem>>)
    %add3A_74 = arith.constant 0 : i32
    %add3A_75 = arith.addi %mul3A_34, %add3A_74 : i32
    %run_scoped3A_76 = arith.constant 0 : i32
    "tpu.region"() ({
      %run_scoped3A_92 = tpu.sem_alloc : memref<!tpu.dma_semaphore, #tpu.memory_space<semaphore_mem>>
      %dma_start3A_93 = arith.constant 0 : i32
      %dma_start3A_94 = arith.constant 0 : i32
      %dma_start3A_95 = tpu.memref_slice %arg6[%run_scoped3A_76, %dma_start3A_93, %dma_start3A_94] : memref<2x128x64xf32, #tpu.memory_space<vmem>> -> memref<1x128x64xf32, #tpu.memory_space<vmem>>
      %dma_start3A_96 = tpu.memref_squeeze %dma_start3A_95 : memref<1x128x64xf32, #tpu.memory_space<vmem>> -> memref<128x64xf32, #tpu.memory_space<vmem>>
      %dma_start3A_97 = arith.constant 0 : i32
      %dma_start3A_98 = tpu.memref_slice %arg4[%select_n3A, %add3A_75, %dma_start3A_97] : memref<8x1024x64xf32, #tpu.memory_space<hbm>> -> memref<1x128x64xf32, #tpu.memory_space<hbm>>
      %dma_start3A_99 = tpu.memref_squeeze %dma_start3A_98 : memref<1x128x64xf32, #tpu.memory_space<hbm>> -> memref<128x64xf32, #tpu.memory_space<hbm>>
      %dma_start3A_100 = arith.constant 0 : i32
      %dma_start3A_101 = tpu.memref_slice %arg4[%select_n3A, %add3A_75, %dma_start3A_100] : memref<8x1024x64xf32, #tpu.memory_space<hbm>> -> memref<1x128x64xf32, #tpu.memory_space<hbm>>
      %dma_start3A_102 = tpu.memref_squeeze %dma_start3A_101 : memref<1x128x64xf32, #tpu.memory_space<hbm>> -> memref<128x64xf32, #tpu.memory_space<hbm>>
      %dma_start3A_103 = arith.constant 0 : i32
      %dma_start3A_104 = arith.constant 0 : i32
      %dma_start3A_105 = tpu.memref_slice %arg6[%run_scoped3A_76, %dma_start3A_103, %dma_start3A_104] : memref<2x128x64xf32, #tpu.memory_space<vmem>> -> memref<1x128x64xf32, #tpu.memory_space<vmem>>
      %dma_start3A_106 = tpu.memref_squeeze %dma_start3A_105 : memref<1x128x64xf32, #tpu.memory_space<vmem>> -> memref<128x64xf32, #tpu.memory_space<vmem>>
      tpu.enqueue_dma source(%dma_start3A_106 : memref<128x64xf32, #tpu.memory_space<vmem>>) target(%dma_start3A_102 : memref<128x64xf32, #tpu.memory_space<hbm>>) target_semaphore(%run_scoped3A_92 : memref<!tpu.dma_semaphore, #tpu.memory_space<semaphore_mem>>)
      %dma_wait3A_107 = arith.constant 0 : i32
      %dma_wait3A_108 = arith.constant 0 : i32
      %dma_wait3A_109 = tpu.memref_slice %arg6[%run_scoped3A_76, %dma_wait3A_107, %dma_wait3A_108] : memref<2x128x64xf32, #tpu.memory_space<vmem>> -> memref<1x128x64xf32, #tpu.memory_space<vmem>>
      %dma_wait3A_110 = tpu.memref_squeeze %dma_wait3A_109 : memref<1x128x64xf32, #tpu.memory_space<vmem>> -> memref<128x64xf32, #tpu.memory_space<vmem>>
      %dma_wait3A_111 = arith.constant 0 : i32
      %dma_wait3A_112 = tpu.memref_slice %arg4[%select_n3A, %add3A_75, %dma_wait3A_111] : memref<8x1024x64xf32, #tpu.memory_space<hbm>> -> memref<1x128x64xf32, #tpu.memory_space<hbm>>
      %dma_wait3A_113 = tpu.memref_squeeze %dma_wait3A_112 : memref<1x128x64xf32, #tpu.memory_space<hbm>> -> memref<128x64xf32, #tpu.memory_space<hbm>>
      %dma_wait3A_114 = arith.constant 0 : i32
      %dma_wait3A_115 = tpu.memref_slice %arg4[%select_n3A, %add3A_75, %dma_wait3A_114] : memref<8x1024x64xf32, #tpu.memory_space<hbm>> -> memref<1x128x64xf32, #tpu.memory_space<hbm>>
      %dma_wait3A_116 = tpu.memref_squeeze %dma_wait3A_115 : memref<1x128x64xf32, #tpu.memory_space<hbm>> -> memref<128x64xf32, #tpu.memory_space<hbm>>
      %dma_wait3A_117 = arith.constant 0 : i32
      %dma_wait3A_118 = arith.constant 0 : i32
      %dma_wait3A_119 = tpu.memref_slice %arg6[%run_scoped3A_76, %dma_wait3A_117, %dma_wait3A_118] : memref<2x128x64xf32, #tpu.memory_space<vmem>> -> memref<1x128x64xf32, #tpu.memory_space<vmem>>
      %dma_wait3A_120 = tpu.memref_squeeze %dma_wait3A_119 : memref<1x128x64xf32, #tpu.memory_space<vmem>> -> memref<128x64xf32, #tpu.memory_space<vmem>>
      tpu.wait_dma2 semaphore(%run_scoped3A_92 : memref<!tpu.dma_semaphore, #tpu.memory_space<semaphore_mem>>) src(%dma_wait3A_120 : memref<128x64xf32, #tpu.memory_space<vmem>>) dst(%dma_wait3A_116 : memref<128x64xf32, #tpu.memory_space<hbm>>)
      tpu.yield
    }) : () -> ()
    %dma_wait3A_77 = arith.constant 1 : i32
    %dma_wait3A_78 = arith.constant 1 : i32
    %dma_wait3A_79 = arith.constant 0 : i32
    %dma_wait3A_80 = arith.constant 0 : i32
    %dma_wait3A_81 = tpu.memref_slice %arg6[%dma_wait3A_78, %dma_wait3A_79, %dma_wait3A_80] : memref<2x128x64xf32, #tpu.memory_space<vmem>> -> memref<1x128x64xf32, #tpu.memory_space<vmem>>
    %dma_wait3A_82 = tpu.memref_squeeze %dma_wait3A_81 : memref<1x128x64xf32, #tpu.memory_space<vmem>> -> memref<128x64xf32, #tpu.memory_space<vmem>>
    %dma_wait3A_83 = arith.constant 0 : i32
    %dma_wait3A_84 = tpu.memref_slice %arg5[%dma_wait3A_77, %dma_wait3A_83] : memref<2x128xi32, #tpu.memory_space<vmem>> -> memref<1x128xi32, #tpu.memory_space<vmem>>
    %dma_wait3A_85 = tpu.memref_squeeze %dma_wait3A_84 : memref<1x128xi32, #tpu.memory_space<vmem>> -> memref<128xi32, #tpu.memory_space<vmem>>
    %dma_wait3A_86 = arith.constant 0 : i32
    %dma_wait3A_87 = arith.constant 0 : i32
    %dma_wait3A_88 = tpu.memref_slice %arg2[%dma_wait3A_86, %dma_wait3A_87] : memref<1024x64xf32, #tpu.memory_space<hbm>> -> memref<1024x64xf32, #tpu.memory_space<hbm>>
    tpu.wait_indirect_dma semaphore(%arg7 : memref<!tpu.dma_semaphore, #tpu.memory_space<semaphore_mem>>) src(%dma_wait3A_88 : memref<1024x64xf32, #tpu.memory_space<hbm>>) dst(%dma_wait3A_82 : memref<128x64xf32, #tpu.memory_space<vmem>>)
    %add3A_89 = arith.constant 128 : i32
    %add3A_90 = arith.addi %mul3A_34, %add3A_89 : i32
    %run_scoped3A_91 = arith.constant 1 : i32
    "tpu.region"() ({
      %run_scoped3A_92 = tpu.sem_alloc : memref<!tpu.dma_semaphore, #tpu.memory_space<semaphore_mem>>
      %dma_start3A_93 = arith.constant 0 : i32
      %dma_start3A_94 = arith.constant 0 : i32
      %dma_start3A_95 = tpu.memref_slice %arg6[%run_scoped3A_91, %dma_start3A_93, %dma_start3A_94] : memref<2x128x64xf32, #tpu.memory_space<vmem>> -> memref<1x128x64xf32, #tpu.memory_space<vmem>>
      %dma_start3A_96 = tpu.memref_squeeze %dma_start3A_95 : memref<1x128x64xf32, #tpu.memory_space<vmem>> -> memref<128x64xf32, #tpu.memory_space<vmem>>
      %dma_start3A_97 = arith.constant 0 : i32
      %dma_start3A_98 = tpu.memref_slice %arg4[%select_n3A, %add3A_90, %dma_start3A_97] : memref<8x1024x64xf32, #tpu.memory_space<hbm>> -> memref<1x128x64xf32, #tpu.memory_space<hbm>>
      %dma_start3A_99 = tpu.memref_squeeze %dma_start3A_98 : memref<1x128x64xf32, #tpu.memory_space<hbm>> -> memref<128x64xf32, #tpu.memory_space<hbm>>
      %dma_start3A_100 = arith.constant 0 : i32
      %dma_start3A_101 = tpu.memref_slice %arg4[%select_n3A, %add3A_90, %dma_start3A_100] : memref<8x1024x64xf32, #tpu.memory_space<hbm>> -> memref<1x128x64xf32, #tpu.memory_space<hbm>>
      %dma_start3A_102 = tpu.memref_squeeze %dma_start3A_101 : memref<1x128x64xf32, #tpu.memory_space<hbm>> -> memref<128x64xf32, #tpu.memory_space<hbm>>
      %dma_start3A_103 = arith.constant 0 : i32
      %dma_start3A_104 = arith.constant 0 : i32
      %dma_start3A_105 = tpu.memref_slice %arg6[%run_scoped3A_91, %dma_start3A_103, %dma_start3A_104] : memref<2x128x64xf32, #tpu.memory_space<vmem>> -> memref<1x128x64xf32, #tpu.memory_space<vmem>>
      %dma_start3A_106 = tpu.memref_squeeze %dma_start3A_105 : memref<1x128x64xf32, #tpu.memory_space<vmem>> -> memref<128x64xf32, #tpu.memory_space<vmem>>
      tpu.enqueue_dma source(%dma_start3A_106 : memref<128x64xf32, #tpu.memory_space<vmem>>) target(%dma_start3A_102 : memref<128x64xf32, #tpu.memory_space<hbm>>) target_semaphore(%run_scoped3A_92 : memref<!tpu.dma_semaphore, #tpu.memory_space<semaphore_mem>>)
      %dma_wait3A_107 = arith.constant 0 : i32
      %dma_wait3A_108 = arith.constant 0 : i32
      %dma_wait3A_109 = tpu.memref_slice %arg6[%run_scoped3A_91, %dma_wait3A_107, %dma_wait3A_108] : memref<2x128x64xf32, #tpu.memory_space<vmem>> -> memref<1x128x64xf32, #tpu.memory_space<vmem>>
      %dma_wait3A_110 = tpu.memref_squeeze %dma_wait3A_109 : memref<1x128x64xf32, #tpu.memory_space<vmem>> -> memref<128x64xf32, #tpu.memory_space<vmem>>
      %dma_wait3A_111 = arith.constant 0 : i32
      %dma_wait3A_112 = tpu.memref_slice %arg4[%select_n3A, %add3A_90, %dma_wait3A_111] : memref<8x1024x64xf32, #tpu.memory_space<hbm>> -> memref<1x128x64xf32, #tpu.memory_space<hbm>>
      %dma_wait3A_113 = tpu.memref_squeeze %dma_wait3A_112 : memref<1x128x64xf32, #tpu.memory_space<hbm>> -> memref<128x64xf32, #tpu.memory_space<hbm>>
      %dma_wait3A_114 = arith.constant 0 : i32
      %dma_wait3A_115 = tpu.memref_slice %arg4[%select_n3A, %add3A_90, %dma_wait3A_114] : memref<8x1024x64xf32, #tpu.memory_space<hbm>> -> memref<1x128x64xf32, #tpu.memory_space<hbm>>
      %dma_wait3A_116 = tpu.memref_squeeze %dma_wait3A_115 : memref<1x128x64xf32, #tpu.memory_space<hbm>> -> memref<128x64xf32, #tpu.memory_space<hbm>>
      %dma_wait3A_117 = arith.constant 0 : i32
      %dma_wait3A_118 = arith.constant 0 : i32
      %dma_wait3A_119 = tpu.memref_slice %arg6[%run_scoped3A_91, %dma_wait3A_117, %dma_wait3A_118] : memref<2x128x64xf32, #tpu.memory_space<vmem>> -> memref<1x128x64xf32, #tpu.memory_space<vmem>>
      %dma_wait3A_120 = tpu.memref_squeeze %dma_wait3A_119 : memref<1x128x64xf32, #tpu.memory_space<vmem>> -> memref<128x64xf32, #tpu.memory_space<vmem>>
      tpu.wait_dma2 semaphore(%run_scoped3A_92 : memref<!tpu.dma_semaphore, #tpu.memory_space<semaphore_mem>>) src(%dma_wait3A_120 : memref<128x64xf32, #tpu.memory_space<vmem>>) dst(%dma_wait3A_116 : memref<128x64xf32, #tpu.memory_space<hbm>>)
      tpu.yield
    }) : () -> ()
    return
  }
}

module attributes {stable_mosaic.version = 14 : i64} {
  func.func @_main_body(%arg0: i32, %arg1: memref<8x64x512xf32, #tpu.memory_space<vmem>>, %arg2: memref<1024x64xf32, #tpu.memory_space<vmem>>, %arg3: memref<8x512xi32, #tpu.memory_space<vmem>>, %arg4: memref<1x1xf32, #tpu.memory_space<vmem>>, %arg5: memref<1x1xf32, #tpu.memory_space<vmem>>, %arg6: memref<1x1024xf32, #tpu.memory_space<vmem>>, %arg7: memref<1x1024xf32, #tpu.memory_space<vmem>>, %arg8: memref<1xf32, #tpu.memory_space<smem>>) attributes {dimension_semantics = [#tpu.dimension_semantics<arbitrary>], iteration_bounds = array<i64: 2>, scalar_prefetch = 0 : i64, scratch_operands = 3 : i64, tpu.core_type = #tpu.core_type<tc>, window_params = [{transform_indices = @transform_0, window_bounds = array<i64: 8, 64, 512>}, {pipeline_mode = #tpu.pipeline_mode<synchronous>, transform_indices = @transform_1, window_bounds = array<i64: 1024, 64>}, {transform_indices = @transform_2, window_bounds = array<i64: 8, 512>}, {pipeline_mode = #tpu.pipeline_mode<synchronous>, transform_indices = @transform_3, window_bounds = array<i64: 1, 1>}, {pipeline_mode = #tpu.pipeline_mode<synchronous>, transform_indices = @transform_4, window_bounds = array<i64: 1, 1>}]} {
    %get3A = arith.constant 0 : index
    %get3A_0 = arith.constant 0 : index
    %get3A_1 = vector.load %arg2[%get3A, %get3A_0] : memref<1024x64xf32, #tpu.memory_space<vmem>>, vector<1024x64xf32>
    %eq3A = arith.constant 0 : i32
    %eq3A_2 = arith.cmpi eq, %arg0, %eq3A : i32
    %convert_element_type3A = arith.extui %eq3A_2 : i1 to i32
    %cond3A = arith.constant 0 : i32
    %cond3A_3 = arith.cmpi ne, %convert_element_type3A, %cond3A : i32
    scf.if %cond3A_3 {
      %mul3A_82 = arith.mulf %get3A_1, %get3A_1 : vector<1024x64xf32>
      %reduce_sum3A_83 = arith.constant dense<0.000000e+00> : vector<1024xf32>
      %reduce_sum3A_84 = vector.multi_reduction <add>, %mul3A_82, %reduce_sum3A_83 [1] : vector<1024x64xf32> to vector<1024xf32>
      %broadcast_in_dim3A_85 = vector.shape_cast %reduce_sum3A_84 : vector<1024xf32> to vector<1x1024xf32>
      %swap3A_86 = arith.constant 0 : index
      %swap3A_87 = arith.constant 0 : index
      %swap3A_88 = vector.load %arg6[%swap3A_86, %swap3A_87] : memref<1x1024xf32, #tpu.memory_space<vmem>>, vector<1x1024xf32>
      tpu.vector_store %arg6[%swap3A_86, %swap3A_87], %broadcast_in_dim3A_85 {strides = array<i32>} : memref<1x1024xf32, #tpu.memory_space<vmem>>, vector<1x1024xf32>,
      %broadcast_in_dim3A_89 = arith.constant 0.000000e+00 : f32
      %broadcast_in_dim3A_90 = vector.broadcast %broadcast_in_dim3A_89 : f32 to vector<1x1024xf32>
      %swap3A_91 = arith.constant 0 : index
      %swap3A_92 = arith.constant 0 : index
      %swap3A_93 = vector.load %arg7[%swap3A_91, %swap3A_92] : memref<1x1024xf32, #tpu.memory_space<vmem>>, vector<1x1024xf32>
      tpu.vector_store %arg7[%swap3A_91, %swap3A_92], %broadcast_in_dim3A_90 {strides = array<i32>} : memref<1x1024xf32, #tpu.memory_space<vmem>>, vector<1x1024xf32>,
      %swap3A_94 = arith.constant 0.000000e+00 : f32
      %swap3A_95 = arith.constant 0 : index
      %swap3A_96 = memref.load %arg8[%swap3A_95] : memref<1xf32, #tpu.memory_space<smem>>
      memref.store %swap3A_94, %arg8[%swap3A_95] : memref<1xf32, #tpu.memory_space<smem>>
    } else {
    }
    %get3A_4 = arith.constant 0 : index
    %get3A_5 = arith.constant 0 : index
    %get3A_6 = arith.constant 0 : index
    %get3A_7 = vector.load %arg1[%get3A_4, %get3A_5, %get3A_6] : memref<8x64x512xf32, #tpu.memory_space<vmem>>, vector<8x64x512xf32>
    %slice3A = vector.extract_strided_slice %get3A_7 {offsets = [0, 0, 0], sizes = [1, 64, 512], strides = [1, 1, 1]} : vector<8x64x512xf32> to vector<1x64x512xf32>
    %squeeze3A = vector.shape_cast %slice3A : vector<1x64x512xf32> to vector<64x512xf32>
    %transpose3A = tpu.transpose %squeeze3A, [1, 0] : vector<64x512xf32> -> vector<512x64xf32>
    %slice3A_8 = vector.extract_strided_slice %get3A_7 {offsets = [1, 0, 0], sizes = [1, 64, 512], strides = [1, 1, 1]} : vector<8x64x512xf32> to vector<1x64x512xf32>
    %squeeze3A_9 = vector.shape_cast %slice3A_8 : vector<1x64x512xf32> to vector<64x512xf32>
    %transpose3A_10 = tpu.transpose %squeeze3A_9, [1, 0] : vector<64x512xf32> -> vector<512x64xf32>
    %slice3A_11 = vector.extract_strided_slice %get3A_7 {offsets = [2, 0, 0], sizes = [1, 64, 512], strides = [1, 1, 1]} : vector<8x64x512xf32> to vector<1x64x512xf32>
    %squeeze3A_12 = vector.shape_cast %slice3A_11 : vector<1x64x512xf32> to vector<64x512xf32>
    %transpose3A_13 = tpu.transpose %squeeze3A_12, [1, 0] : vector<64x512xf32> -> vector<512x64xf32>
    %slice3A_14 = vector.extract_strided_slice %get3A_7 {offsets = [3, 0, 0], sizes = [1, 64, 512], strides = [1, 1, 1]} : vector<8x64x512xf32> to vector<1x64x512xf32>
    %squeeze3A_15 = vector.shape_cast %slice3A_14 : vector<1x64x512xf32> to vector<64x512xf32>
    %transpose3A_16 = tpu.transpose %squeeze3A_15, [1, 0] : vector<64x512xf32> -> vector<512x64xf32>
    %slice3A_17 = vector.extract_strided_slice %get3A_7 {offsets = [4, 0, 0], sizes = [1, 64, 512], strides = [1, 1, 1]} : vector<8x64x512xf32> to vector<1x64x512xf32>
    %squeeze3A_18 = vector.shape_cast %slice3A_17 : vector<1x64x512xf32> to vector<64x512xf32>
    %transpose3A_19 = tpu.transpose %squeeze3A_18, [1, 0] : vector<64x512xf32> -> vector<512x64xf32>
    %slice3A_20 = vector.extract_strided_slice %get3A_7 {offsets = [5, 0, 0], sizes = [1, 64, 512], strides = [1, 1, 1]} : vector<8x64x512xf32> to vector<1x64x512xf32>
    %squeeze3A_21 = vector.shape_cast %slice3A_20 : vector<1x64x512xf32> to vector<64x512xf32>
    %transpose3A_22 = tpu.transpose %squeeze3A_21, [1, 0] : vector<64x512xf32> -> vector<512x64xf32>
    %slice3A_23 = vector.extract_strided_slice %get3A_7 {offsets = [6, 0, 0], sizes = [1, 64, 512], strides = [1, 1, 1]} : vector<8x64x512xf32> to vector<1x64x512xf32>
    %squeeze3A_24 = vector.shape_cast %slice3A_23 : vector<1x64x512xf32> to vector<64x512xf32>
    %transpose3A_25 = tpu.transpose %squeeze3A_24, [1, 0] : vector<64x512xf32> -> vector<512x64xf32>
    %slice3A_26 = vector.extract_strided_slice %get3A_7 {offsets = [7, 0, 0], sizes = [1, 64, 512], strides = [1, 1, 1]} : vector<8x64x512xf32> to vector<1x64x512xf32>
    %squeeze3A_27 = vector.shape_cast %slice3A_26 : vector<1x64x512xf32> to vector<64x512xf32>
    %transpose3A_28 = tpu.transpose %squeeze3A_27, [1, 0] : vector<64x512xf32> -> vector<512x64xf32>
    %concatenate3A = tpu.concatenate %transpose3A, %transpose3A_10, %transpose3A_13, %transpose3A_16, %transpose3A_19, %transpose3A_22, %transpose3A_25, %transpose3A_28 in 0 : vector<512x64xf32>, vector<512x64xf32>, vector<512x64xf32>, vector<512x64xf32>, vector<512x64xf32>, vector<512x64xf32>, vector<512x64xf32>, vector<512x64xf32> -> vector<4096x64xf32>
    %dot_general3A = arith.constant dense<0.000000e+00> : vector<4096x1024xf32>
    %dot_general3A_29 = tpu.matmul %concatenate3A, %get3A_1, %dot_general3A {dimension_numbers = #tpu.dot_dimension_numbers<[1], [1], [0], [0], [0, 0, 1, 0], [], []>, transpose_lhs_hint = false} : vector<4096x64xf32>, vector<1024x64xf32>, vector<4096x1024xf32> -> vector<4096x1024xf32>
    %mul3A = arith.mulf %concatenate3A, %concatenate3A : vector<4096x64xf32>
    %reduce_sum3A = arith.constant dense<0.000000e+00> : vector<4096xf32>
    %reduce_sum3A_30 = vector.multi_reduction <add>, %mul3A, %reduce_sum3A [1] : vector<4096x64xf32> to vector<4096xf32>
    %broadcast_in_dim3A = vector.shape_cast %reduce_sum3A_30 : vector<4096xf32> to vector<4096x1xf32>
    %get3A_31 = arith.constant 0 : index
    %get3A_32 = arith.constant 0 : index
    %get3A_33 = vector.load %arg6[%get3A_31, %get3A_32] : memref<1x1024xf32, #tpu.memory_space<vmem>>, vector<1x1024xf32>
    %add3A = vector.broadcast %broadcast_in_dim3A : vector<4096x1xf32> to vector<4096x1024xf32>
    %add3A_34 = vector.broadcast %get3A_33 : vector<1x1024xf32> to vector<4096x1024xf32>
    %add3A_35 = arith.addf %add3A, %add3A_34 : vector<4096x1024xf32>
    %mul3A_36 = arith.constant 2.000000e+00 : f32
    %mul3A_37 = vector.broadcast %mul3A_36 : f32 to vector<4096x1024xf32>
    %mul3A_38 = arith.mulf %mul3A_37, %dot_general3A_29 : vector<4096x1024xf32>
    %sub3A = arith.subf %add3A_35, %mul3A_38 : vector<4096x1024xf32>
    %reduce_min3A = arith.constant dense<0x7F800000> : vector<4096xf32>
    %reduce_min3A_39 = vector.multi_reduction <minimumf>, %sub3A, %reduce_min3A [1] : vector<4096x1024xf32> to vector<4096xf32>
    %iota3A = tpu.iota {dimensions = array<i32: 1>} : vector<1x1024xi32>
    %broadcast_in_dim3A_40 = vector.shape_cast %reduce_min3A_39 : vector<4096xf32> to vector<4096x1xf32>
    %eq3A_41 = vector.broadcast %broadcast_in_dim3A_40 : vector<4096x1xf32> to vector<4096x1024xf32>
    %eq3A_42 = arith.cmpf oeq, %sub3A, %eq3A_41 : vector<4096x1024xf32>
    %jit3A = arith.constant 1024 : i32
    %broadcast_in_dim3A_43 = vector.shape_cast %iota3A : vector<1x1024xi32> to vector<1x1024xi32>
    %broadcast_in_dim3A_44 = vector.broadcast %broadcast_in_dim3A_43 : vector<1x1024xi32> to vector<4096x1024xi32>
    %broadcast_in_dim3A_45 = vector.broadcast %jit3A : i32 to vector<4096x1024xi32>
    %select_n3A = arith.select %eq3A_42, %broadcast_in_dim3A_44, %broadcast_in_dim3A_45 : vector<4096x1024xi1>, vector<4096x1024xi32>
    %reduce_min3A_46 = arith.constant dense<2147483647> : vector<4096xi32>
    %reduce_min3A_47 = vector.multi_reduction <minsi>, %select_n3A, %reduce_min3A_46 [1] : vector<4096x1024xi32> to vector<4096xi32>
    %reshape3A = vector.shape_cast %reduce_min3A_47 : vector<4096xi32> to vector<8x512xi32>
    %swap3A = arith.constant 0 : index
    %swap3A_48 = arith.constant 0 : index
    %swap3A_49 = vector.load %arg3[%swap3A, %swap3A_48] : memref<8x512xi32, #tpu.memory_space<vmem>>, vector<8x512xi32>
    tpu.vector_store %arg3[%swap3A, %swap3A_48], %reshape3A {strides = array<i32>} : memref<8x512xi32, #tpu.memory_space<vmem>>, vector<8x512xi32>,
    %get3A_50 = arith.constant 0 : index
    %get3A_51 = memref.load %arg8[%get3A_50] : memref<1xf32, #tpu.memory_space<smem>>
    %reduce_sum3A_52 = vector.shape_cast %reduce_min3A_39 : vector<4096xf32> to vector<1x4096xf32>
    %reduce_sum3A_53 = arith.constant dense<0.000000e+00> : vector<1xf32>
    %reduce_sum3A_54 = vector.multi_reduction <add>, %reduce_sum3A_52, %reduce_sum3A_53 [1] : vector<1x4096xf32> to vector<1xf32>
    %reduce_sum3A_55 = vector.shape_cast %reduce_sum3A_54 : vector<1xf32> to vector<1x1xf32>
    %reduce_sum3A_56 = vector.extract %reduce_sum3A_55[0, 0] : f32 from vector<1x1xf32>
    %add3A_57 = arith.addf %get3A_51, %reduce_sum3A_56 : f32
    %swap3A_58 = arith.constant 0 : index
    %swap3A_59 = memref.load %arg8[%swap3A_58] : memref<1xf32, #tpu.memory_space<smem>>
    memref.store %add3A_57, %arg8[%swap3A_58] : memref<1xf32, #tpu.memory_space<smem>>
    %broadcast_in_dim3A_60 = vector.shape_cast %reduce_min3A_47 : vector<4096xi32> to vector<4096x1xi32>
    %eq3A_61 = vector.broadcast %broadcast_in_dim3A_60 : vector<4096x1xi32> to vector<4096x1024xi32>
    %eq3A_62 = vector.broadcast %iota3A : vector<1x1024xi32> to vector<4096x1024xi32>
    %eq3A_63 = arith.cmpi eq, %eq3A_61, %eq3A_62 : vector<4096x1024xi32>
    %convert_element_type3A_64 = arith.extui %eq3A_63 : vector<4096x1024xi1> to vector<4096x1024xi32>
    %convert_element_type3A_65 = arith.sitofp %convert_element_type3A_64 : vector<4096x1024xi32> to vector<4096x1024xf32>
    %broadcast_in_dim3A_66 = arith.constant 1.000000e+00 : f32
    %broadcast_in_dim3A_67 = vector.broadcast %broadcast_in_dim3A_66 : f32 to vector<1x4096xf32>
    %dot_general3A_68 = arith.constant dense<0.000000e+00> : vector<1x1024xf32>
    %dot_general3A_69 = tpu.matmul %broadcast_in_dim3A_67, %convert_element_type3A_65, %dot_general3A_68 {dimension_numbers = #tpu.dot_dimension_numbers<[1], [0], [0], [1], [0, 0, 1, 1], [], []>, transpose_lhs_hint = false} : vector<1x4096xf32>, vector<4096x1024xf32>, vector<1x1024xf32> -> vector<1x1024xf32>
    %get3A_70 = arith.constant 0 : index
    %get3A_71 = arith.constant 0 : index
    %get3A_72 = vector.load %arg7[%get3A_70, %get3A_71] : memref<1x1024xf32, #tpu.memory_space<vmem>>, vector<1x1024xf32>
    %add3A_73 = arith.addf %get3A_72, %dot_general3A_69 : vector<1x1024xf32>
    %swap3A_74 = arith.constant 0 : index
    %swap3A_75 = arith.constant 0 : index
    %swap3A_76 = vector.load %arg7[%swap3A_74, %swap3A_75] : memref<1x1024xf32, #tpu.memory_space<vmem>>, vector<1x1024xf32>
    tpu.vector_store %arg7[%swap3A_74, %swap3A_75], %add3A_73 {strides = array<i32>} : memref<1x1024xf32, #tpu.memory_space<vmem>>, vector<1x1024xf32>,
    %eq3A_77 = arith.constant 1 : i32
    %eq3A_78 = arith.cmpi eq, %arg0, %eq3A_77 : i32
    %convert_element_type3A_79 = arith.extui %eq3A_78 : i1 to i32
    %cond3A_80 = arith.constant 0 : i32
    %cond3A_81 = arith.cmpi ne, %convert_element_type3A_79, %cond3A_80 : i32
    scf.if %cond3A_81 {
      %get3A_82 = arith.constant 0 : index
      %get3A_83 = memref.load %arg8[%get3A_82] : memref<1xf32, #tpu.memory_space<smem>>
      %div3A = arith.constant 5.242880e+05 : f32
      %div3A_84 = arith.divf %get3A_83, %div3A : f32
      %get3A_85 = arith.constant 0 : index
      %get3A_86 = arith.constant 0 : index
      %get3A_87 = vector.load %arg7[%get3A_85, %get3A_86] : memref<1x1024xf32, #tpu.memory_space<vmem>>, vector<1x1024xf32>
      %mul3A_88 = arith.constant 1.22070313E-4 : f32
      %mul3A_89 = vector.broadcast %mul3A_88 : f32 to vector<1x1024xf32>
      %mul3A_90 = arith.mulf %get3A_87, %mul3A_89 : vector<1x1024xf32>
      %add3A_91 = arith.constant 1.000000e-10 : f32
      %add3A_92 = vector.broadcast %add3A_91 : f32 to vector<1x1024xf32>
      %add3A_93 = arith.addf %mul3A_90, %add3A_92 : vector<1x1024xf32>
      %log3A = math.log %add3A_93 : vector<1x1024xf32>
      %mul3A_94 = arith.mulf %mul3A_90, %log3A : vector<1x1024xf32>
      %reduce_sum3A_95 = vector.shape_cast %mul3A_94 : vector<1x1024xf32> to vector<1x1x1024xf32>
      %reduce_sum3A_96 = arith.constant dense<0.000000e+00> : vector<1xf32>
      %reduce_sum3A_97 = vector.multi_reduction <add>, %reduce_sum3A_95, %reduce_sum3A_96 [1, 2] : vector<1x1x1024xf32> to vector<1xf32>
      %reduce_sum3A_98 = vector.shape_cast %reduce_sum3A_97 : vector<1xf32> to vector<1x1x1xf32>
      %reduce_sum3A_99 = vector.extract %reduce_sum3A_98[0, 0, 0] : f32 from vector<1x1x1xf32>
      %mul3A_100 = arith.constant 2.500000e-01 : f32
      %mul3A_101 = arith.mulf %mul3A_100, %div3A_84 : f32
      %add3A_102 = arith.addf %div3A_84, %mul3A_101 : f32
      %broadcast_in_dim3A_103 = vector.broadcast %add3A_102 : f32 to vector<1x1xf32>
      %swap3A_104 = arith.constant 0 : index
      %swap3A_105 = arith.constant 0 : index
      %swap3A_106 = vector.load %arg4[%swap3A_104, %swap3A_105] : memref<1x1xf32, #tpu.memory_space<vmem>>, vector<1x1xf32>
      tpu.vector_store %arg4[%swap3A_104, %swap3A_105], %broadcast_in_dim3A_103 {strides = array<i32>} : memref<1x1xf32, #tpu.memory_space<vmem>>, vector<1x1xf32>,
      %neg3A = arith.constant 0.000000e+00 : f32
      %neg3A_107 = arith.subf %neg3A, %reduce_sum3A_99 : f32
      %exp3A = math.exp %neg3A_107 : f32
      %broadcast_in_dim3A_108 = vector.broadcast %exp3A : f32 to vector<1x1xf32>
      %swap3A_109 = arith.constant 0 : index
      %swap3A_110 = arith.constant 0 : index
      %swap3A_111 = vector.load %arg5[%swap3A_109, %swap3A_110] : memref<1x1xf32, #tpu.memory_space<vmem>>, vector<1x1xf32>
      tpu.vector_store %arg5[%swap3A_109, %swap3A_110], %broadcast_in_dim3A_108 {strides = array<i32>} : memref<1x1xf32, #tpu.memory_space<vmem>>, vector<1x1xf32>,
    } else {
    }
    return
  }
  func.func @transform_0(%arg0: i32) -> (i32, i32, i32) {
    %c0_i32 = arith.constant 0 : i32
    %c0_i32_0 = arith.constant 0 : i32
    %c0_i32_1 = arith.constant 0 : i32
    return %c0_i32, %c0_i32_0, %arg0 : i32, i32, i32
  }
  func.func @transform_1(%arg0: i32) -> (i32, i32) {
    %c0_i32 = arith.constant 0 : i32
    %c0_i32_0 = arith.constant 0 : i32
    %c0_i32_1 = arith.constant 0 : i32
    return %c0_i32, %c0_i32_0 : i32, i32
  }
  func.func @transform_2(%arg0: i32) -> (i32, i32) {
    %c0_i32 = arith.constant 0 : i32
    %c0_i32_0 = arith.constant 0 : i32
    return %c0_i32, %arg0 : i32, i32
  }
  func.func @transform_3(%arg0: i32) -> (i32, i32) {
    %c0_i32 = arith.constant 0 : i32
    %c0_i32_0 = arith.constant 0 : i32
    %c0_i32_1 = arith.constant 0 : i32
    return %c0_i32, %c0_i32_0 : i32, i32
  }
  func.func @transform_4(%arg0: i32) -> (i32, i32) {
    %c0_i32 = arith.constant 0 : i32
    %c0_i32_0 = arith.constant 0 : i32
    %c0_i32_1 = arith.constant 0 : i32
    return %c0_i32, %c0_i32_0 : i32, i32
  }
}

</mosaic_0001>

<sc_bundles>
// kernel: kernel.4.cloned.1.call-start
scs
__scs_entry_jumppad:
0x0: {  	(pc) =	sbr.rel $0x88, $3  }
0x1: {  	(tag) =	ssettag $0x0;
	lr =	simm.s32 $0x1  }
0x2: {  	[smem:$0x3F9F] =	sst lr;
	_ =	strace $0xD0000000  }
0x3: {  	_ = 	snop  }
0x4: {  	_ = 	snop  }
0x5: {  	_ = 	snop  }
0x6: {  	_ = 	snop  }
0x7: {  	_ = 	snop  }
__scs_overlays_trampoline_lowered:
0x8: {  	[smem:$0x3FAE] =	sst s0  }
0x9: {  	[smem:$0x3FAF] =	sst s1  }
0xa: {  	[smem:$0x3FB0] =	sst s2  }
0xb: {  	[smem:$0x3FB1] =	sst s3  }
0xc: {  	[smem:$0x3FB2] =	sst s4  }
0xd: {  	[smem:$0x3FB3] =	sst s5  }
0xe: {  	[smem:$0x3FB4] =	sst s6  }
0xf: {  	[smem:$0x3FB5] =	sst s7  }
0x10: {  	[smem:$0x3FB6] =	sst s8  }
0x11: {  	[smem:$0x3FB7] =	sst s9;
	s0 =	simm.s32 @!p0 $0x0  }
0x12: {  	s1 =	sld [smem:$0x3F9D];
	s0 =	simm.s32 @p0 $0x1  }
0x13: {  	[smem:$0x3FB8] =	sst s0;
	s0 =	simm.s32 @!p1 $0x0  }
0x14: {  	s2 =	sld [smem:$0x3F9C];
	s0 =	simm.s32 @p1 $0x1  }
0x15: {  	[smem:$0x3FB9] =	sst s0;
	s0 =	simm.s32 @!p2 $0x0  }
0x16: {  	s3 =	sld [smem:$0x3FDB];
	s0 =	simm.s32 @p2 $0x1  }
0x17: {  	s4 =	simm.s32 $0x1BF5;
	[smem:$0x3FBB] =	sst s0  }
0x18: {  	s0 =	sld [smem:$0x3F9E];
	_ =	swait.ge [sflag:s4], $0x0  }
0x19: {  	s7 =	sld [smem:$0x3F9F]  }
0x1a: {  	s8 =	sadd.s32 $0xFFFFE003, lr  }
0x1b: {  	s9 =	sadd.s32 $0xFFFFFEF7, lr;
	s5 =	simm.s32 $0xFFFFFFFF;
	p2 =	slt.u32 s8, $0xFFFFF086  }
0x1c: {  	p1 =	slt.u32 s9, $0xF7A;
	s5 =	simm.s32 @!p2 $0x0  }
0x1d: {  	s5 =	simm.s32 @p1 $0x1;
	p0 =	seq.s32 s7, s2  }
0x1e: {  	s7 =	smul.u32 @!p0 $0xF7A, s2;
	p2 =	seq.s32 @!p0 s5, $0x0  }
0x1f: {  	s9 =	smul.u32 $0xF7A, s1;
	s8 =	simm.s32 @!p0 $0x1BF5;
	p2 =	por !p2, p0  }
0x20: {  	[sflag:s8] =	ssyncset.s32 @!p0 $0xFFFFF086;
	s6 =	sadd.s32 @!p0 s3, s7;
	s7 =	simm.s32 @!p0 $0x108  }
0x21: {  	s3 =	sadd.s32 s3, s9;
	s6 =	sadd.s32 @!p0 $0x88, s6;
	s7 =	simm.s32 @p2 $0x1082  }
0x22: {  	[simem:s7], [sflag:s8] =	dma.local @!p0 [hbm:s6], $0xF7A  }
0x23: {  	s9 =	sor.u32 $0xD0000000, s2;
	s6 =	simm.s32 $0x108;
	_ =	swait.ge @!p0 [sflag:s8], $0x0  }
0x24: {  	s3 =	sadd.s32 $0x88, s3;
	s6 =	simm.s32 @!p1 $0x1082;
	[sflag:s4] =	ssyncset.s32 $0xFFFFF086  }
0x25: {  	[simem:s6], [sflag:s4] =	dma.local [hbm:s3], $0xF7A  }
0x26: {  	[smem:$0x3F9F] =	sst s1;
	(tag) =	ssettag s2;
	_ =	strace s9  }
0x27: {  	s1 =	sld [smem:$0x3FAF]  }
0x28: {  	s2 =	sld [smem:$0x3FB0]  }
0x29: {  	s4 =	sld [smem:$0x3FB2]  }
0x2a: {  	p0 =	seq.s32 s5, $0x0;
	s5 =	sld [smem:$0x3FB3]  }
0x2b: {  	s6 =	sld [smem:$0x3FB4]  }
0x2c: {  	s7 =	sld [smem:$0x3FB5]  }
0x2d: {  	s3 =	simm.s32 $0x108;
	s8 =	sld [smem:$0x3FB6]  }
0x2e: {  	s3 =	simm.s32 @!p0 $0x1082;
	s9 =	sld [smem:$0x3FB7]  }
0x2f: {  	lr =	sadd.s32 s0, s3;
	s0 =	sld [smem:$0x3FAE]  }
0x30: {  	s3 =	sld [smem:$0x3FB1]  }
0x31: {  	[smem:$0x3FBA] =	sst s10  }
0x32: {  	s10 =	sld [smem:$0x3FB8];
	_ =	sdelay $0x3  }
0x33: {  	p0 =	seq.s32 s10, $0x1;
	s10 =	sld [smem:$0x3FBA];
	_ =	sdelay $0x3  }
0x34: {  	[smem:$0x3FBA] =	sst s10  }
0x35: {  	s10 =	sld [smem:$0x3FB9];
	_ =	sdelay $0x3  }
0x36: {  	p1 =	seq.s32 s10, $0x1;
	s10 =	sld [smem:$0x3FBA];
	_ =	sdelay $0x3  }
0x37: {  	[smem:$0x3FBA] =	sst s10  }
0x38: {  	s10 =	sld [smem:$0x3FBB]  }
0x39: {  	_ = 	snop;
	(pc) =	sbr.ind lr, $3  }
0x3a: {  	_ = 	snop  }
0x3b: {  	_ = 	snop  }
0x3c: {  	p2 =	seq.s32 s10, $0x1;
	s10 =	sld [smem:$0x3FBA]  }
0x3d: {  	_ =	shalt  }
0x3e: {  	_ =	shalt  }
0x3f: {  	_ =	shalt  }
0x40: {  	_ =	shalt  }
0x41: {  	_ =	shalt  }
0x42: {  	_ =	shalt  }
0x43: {  	_ =	shalt  }
0x44: {  	_ =	shalt  }
0x45: {  	_ =	shalt  }
0x46: {  	_ =	shalt  }
0x47: {  	_ =	shalt  }
0x48: {  	_ =	shalt  }
0x49: {  	_ =	shalt  }
0x4a: {  	_ =	shalt  }
0x4b: {  	_ =	shalt  }
0x4c: {  	_ =	shalt  }
0x4d: {  	_ =	shalt  }
0x4e: {  	_ =	shalt  }
0x4f: {  	_ =	shalt  }
0x50: {  	_ =	shalt  }
0x51: {  	_ =	shalt  }
0x52: {  	_ =	shalt  }
0x53: {  	_ =	shalt  }
0x54: {  	_ =	shalt  }
0x55: {  	_ =	shalt  }
0x56: {  	_ =	shalt  }
0x57: {  	_ =	shalt  }
0x58: {  	_ =	shalt  }
0x59: {  	_ =	shalt  }
0x5a: {  	_ =	shalt  }
0x5b: {  	_ =	shalt  }
0x5c: {  	_ =	shalt  }
0x5d: {  	_ =	shalt  }
0x5e: {  	_ =	shalt  }
0x5f: {  	_ =	shalt  }
0x60: {  	_ =	shalt  }
0x61: {  	_ =	shalt  }
0x62: {  	_ =	shalt  }
0x63: {  	_ =	shalt  }
0x64: {  	_ =	shalt  }
0x65: {  	_ =	shalt  }
0x66: {  	_ =	shalt  }
0x67: {  	_ =	shalt  }
0x68: {  	_ =	shalt  }
0x69: {  	_ =	shalt  }
0x6a: {  	_ =	shalt  }
0x6b: {  	_ =	shalt  }
0x6c: {  	_ =	shalt  }
0x6d: {  	_ =	shalt  }
0x6e: {  	_ =	shalt  }
0x6f: {  	_ =	shalt  }
0x70: {  	_ =	shalt  }
0x71: {  	_ =	shalt  }
0x72: {  	_ =	shalt  }
0x73: {  	_ =	shalt  }
0x74: {  	_ =	shalt  }
0x75: {  	_ =	shalt  }
0x76: {  	_ =	shalt  }
0x77: {  	_ =	shalt  }
0x78: {  	_ =	shalt  }
0x79: {  	_ =	shalt  }
0x7a: {  	_ =	shalt  }
0x7b: {  	_ =	shalt  }
0x7c: {  	_ =	shalt  }
0x7d: {  	_ =	shalt  }
0x7e: {  	_ =	shalt  }
0x7f: {  	_ =	shalt  }
0x80: {  	_ =	shalt  }
0x81: {  	_ =	shalt  }
0x82: {  	_ =	shalt  }
0x83: {  	_ =	shalt  }
0x84: {  	_ =	shalt  }
0x85: {  	_ =	shalt  }
0x86: {  	_ =	shalt  }
0x87: {  	_ =	shalt  }
.Lfunc_end0:
.L_simem_size_0:
called_computation_lowered:
.L_overlay_start_0:
0x88: {  	s2 =	sld [smem:$0x3FD9]  }
0x89: {  	s3 =	sld [smem:$0x3FFE];
	_ =	sdelay $0x1  }
0x8a: {  	s1 =	srdreg.scid  }
0x8b: {  	s0 =	sand.u32 $0x1, s1  }
0x8c: {  	s14 =	sshll.u32 s0, $0xA;
	s2 =	sadd.s32 s3, s2  }
0x8d: {  	s2 =	sadd.s32 s2, s14  }
0x8e: {  	[smem:$0x3FC6] =	sst s2  }
0x8f: {  	_ = 	snop  }
0x90: {  	s2 =	sld [smem:$0x3FD0];
	_ =	sdelay $0x2  }
0x91: {  	s15 =	simm.s32 $0xA;
	s4 =	simm.s32 $0x10  }
0x92: {  	[smem:s4], [sflag:s15] =	dma.local [hbm:s2], $0x1  }
0x93: {  	_ =	swait.eq [sflag:s15], $0x1  }
0x94: {  	[sflag:s15] =	ssyncset.done $0x0  }
0x95: {  	[sflag:s15] =	ssyncadd.s32 $0xFFFFFFFF  }
0x96: {  	s16 =	sld [smem:$0x11];
	(tm) =	ssettm $0x1  }
0x97: {  	s17 =	sld [smem:$0x3FFB];
	_ =	sdelay $0x3  }
0x98: {  	_ =	strace s17  }
0x99: {  	s3 =	sld [smem:$0x3FFC];
	_ =	sdelay $0x3  }
0x9a: {  	_ =	strace s3  }
0x9b: {  	s3 =	sld [smem:$0x3FFD];
	_ =	sdelay $0x3  }
0x9c: {  	_ =	strace s3  }
0x9d: {  	_ =	strace $0x8FFFFFFF  }
0x9e: {  	s18 =	sld [smem:$0x3FDB];
	_ =	sdelay $0x1  }
0x9f: {  	s19 =	simm.s32 $_scs_section_size  }
0xa0: {  	s5 =	simm.s32 $_size__tile_overlayer_lowered;
	s6 =	simm.s32 $_tile_overlayer_lowered  }
0xa1: {  	s22 =	simm.s32 $0x1BFF;
	s21 =	sshll.u32 s6, $0x1;
	s3 =	sadd.s32 s19, s18  }
0xa2: {  	s7 =	simm.s32 $0x0;
	s20 =	sshll.u32 s5, $0x1;
	s5 =	sadd.s32 s21, s3  }
0xa3: {  	[timem:s7], [sflag:s22] =	dma.local [hbm:s5], s20  }
0xa4: {  	_ =	swait.ge [sflag:s22], s20  }
0xa5: {  	s4 =	ssub.s32 $0x0, s20;
	[sflag:s22] =	ssyncset.done $0x0  }
0xa6: {  	[sflag:s22] =	ssyncadd.s32 s4;
	_ =	sdelay $0x1  }
0xa7: {  	s23 =	simm.s32 $0x1B8B  }
0xa8: {  	_ =	swait.ge [sflag:s23], $0x1  }
0xa9: {  	[sflag:s23] =	ssyncset.done $0x0  }
0xaa: {  	s25 =	simm.s32 $0x1B8E;
	s24 =	sld [smem:$0x3FFE];
	[sflag:s23] =	ssyncadd.s32 $0xFFFFFFFF  }
0xab: {  	s26 =	simm.s32 $execute0_lowered;
	[smem:$0x3FD2] =	sst s25  }
0xac: {  	s5 =	sshll.u32 s26, $0x1;
	_ =	strace $0x80000046;
	[dreg:$0x1] =	wrdreg $0xFFFFFFFF  }
0xad: {  	s28 =	simm.s32 $_size_execute0_lowered;
	s3 =	sadd.s32 s3, s5;
	[dreg:$0x0] =	wrdreg $0x0  }
0xae: {  	s5 =	sshll.u32 s28, $0x1;
	[dreg:$0x2] =	wrdreg s3  }
0xaf: {  	[dreg:$0x3] =	wrdreg s5  }
0xb0: {  	[dreg:$0x4] =	wrdreg $0xC0  }
0xb1: {  	_ =	task [dreg:s7], $0x5FFFF  }
0xb2: {  	[dreg:$0x1] =	wrdreg $0xFFFFFFFF  }
0xb3: {  	[dreg:$0x0] =	wrdreg $0x60  }
0xb4: {  	[dreg:$0x2] =	wrdreg s24  }
0xb5: {  	[dreg:$0x3] =	wrdreg s16  }
0xb6: {  	[dreg:$0x4] =	wrdreg $0x9  }
0xb7: {  	_ =	task.clear_ibuf [dreg:s7], $0x5FFFF;
	_ =	strace $0x90000046  }
0xb8: {  	s29 =	simm.s32 $0x9;
	_ =	strace $0x80000048  }
0xb9: {  	_ =	swait.ge [sflag:s29], $0x1  }
0xba: {  	[sflag:s29] =	ssyncadd.s32 $0xFFFFFFFF  }
0xbb: {  	_ =	strace $0x90000048  }
0xbc: {  	_ =	sfence  }
0xbd: {  	s30 =	sld [smem:$0x0];
	_ =	sdelay $0x2  }
0xbe: {  	s31 =	sshll.u32 s1, $0xD;
	s1 =	sshrl.u32 s1, $0x2  }
0xbf: {  	s3 =	sand.u32 $0x4000, s31;
	s1 =	sadd.s32 s1, s30  }
0xc0: {  	s0 =	sor.u32 s3, s0;
	s1 =	sshll.u32 s1, $0x11  }
0xc1: {  	s0 =	sor.u32 s1, s0  }
0xc2: {  	s0 =	sadd.s32 $0x8F2B, s0  }
0xc3: {  	[sflag:s0] =	ssyncadd.remote.s32 $0x1  }
0xc4: {  	_ =	sfence.sel $0xFFFF  }
0xc5: {  	[dreg:$0x0] =	wrdreg $0xFFFFFFFF;
	(pc) =	sbr.abs _section_cstart, $3  }
0xc6: {  	[dreg:$0x1] =	wrdreg $0xFFFFFFFF  }
0xc7: {  	_ =	task.clear_ibuf [dreg:s7], $0x2FFFF;
	_ =	strace $0x9FFFFFFF  }
0xc8: {  	(tm) =	ssettm $0x7FFFFFFF  }
0xc9: {  	_ =	shalt  }
tec
execute0_lowered:
.L_overlay_start_1:
0x0: {  	(tag) =	ssettag $0x1  }
0x1: {  	s0 =	stileid.u32  }
0x2: {  	s7 =	rddreg [dreg:$0x0];
	s1 =	srdreg.scid;
	s2 =	sshll.u32 s0, $0x1  }
0x3: {  	s12 =	rddreg [dreg:$0x1];
	s13 =	sand.u32 $0x1, s1;
	s2 =	sand.u32 $0x2, s2  }
0x4: {  	s1 =	rddreg [dreg:$0x2];
	s8 =	sshrl.u32 s0, $0x1;
	s9 =	sor.u32 s13, s2  }
0x5: {  	s5 =	sshll.u32 s8, $0xA;
	s2 =	simm.s32 $0x0;
	s4 =	sshll.u32 s9, $0x8  }
0x6: {  	[smem:$0x7FF] =	sst s2;
	s3 =	sor.u32 s5, s4  }
0x7: {  	s6 =	sadd.s32 $0x2800, s7;
	_ =	strace $0x80000047;
	s3 =	sshrl.u32 s3, $0x3  }
0x8: {  	s14 =	sor.u32 $0x80, s4;
	s4 =	simm.s32 $0x2;
	s3 =	sadd.s32 s6, s3  }
0x9: {  	[tilespmem:s2], [sflag:$0x2] =	stream.linear.gather [hbm4b:s3+s2], $0x80, $0x38;
	[tilespmem:$0x4100] =	vst v63  }
0xa: {  	s5 =	sor.u32 s5, s14;
	_ =	swait.ge [sflag:s4], $0x80  }
0xb: {  	s5 =	sshrl.u32 s5, $0x3;
	[sflag:s4] =	ssyncset.done $0x0  }
0xc: {  	s5 =	sadd.s32 s6, s5;
	s6 =	simm.s32 $0x80;
	[sflag:s4] =	ssyncadd.s32 $0xFFFFFF80  }
0xd: {  	[tilespmem:s6], [sflag:$0x2] =	stream.linear.gather [hbm4b:s5+s2], $0x80, $0x38;
	[tilespmem:$0x4100] =	vst v63  }
0xe: {  	_ =	swait.ge [sflag:s4], $0x80  }
0xf: {  	s7 =	sadd.s32 $0x800, s7;
	[sflag:s4] =	ssyncset.done $0x0  }
0x10: {  	s15 =	sshll.u32 s8, $0x10;
	s8 =	simm.s32 $0x100;
	[sflag:s4] =	ssyncadd.s32 $0xFFFFFF80  }
0x11: {  	[tilespmem:s8], [sflag:$0x1] =	stream.indirect.gather [hbm4b:s7+s6], $0x40, s2, s6, $0xb8;
	[tilespmem:$0x4100] =	vst v63  }
0x12: {  	s10 =	simm.s32 $0x1;
	s11 =	sshll.u32 s9, $0xE;
	s9 =	simm.s32 $0x2100  }
0x13: {  	[tilespmem:s9], [sflag:$0x1] =	stream.indirect.gather [hbm4b:s7+s6], $0x40, s6, s6, $0xb8;
	[tilespmem:$0x4100] =	vst v63  }
0x14: {  	s11 =	sor.u32 s15, s11;
	_ =	swait.ge [sflag:s10], $0x2000  }
0x15: {  	s11 =	sshrl.u32 s11, $0x3;
	[sflag:s10] =	ssyncset.done $0x0  }
0x16: {  	s13 =	ssub.s32 $0x2, s13;
	s11 =	sadd.s32 s12, s11;
	[sflag:s10] =	ssyncadd.s32 $0xFFFFE000  }
0x17: {  	[hbm4b:s11+s2] =	stream.linear.scatter [tilespmem:s8], [sflag:$0x2], $0x2000, $0x38;
	[tilespmem:$0x4100] =	vst v63  }
0x18: {  	s31 =	sshrl.u32 s13, $0x1;
	_ =	swait.ge [sflag:s4], $0x2000  }
0x19: {  	s13 =	ssub.s32 s13, s31;
	[sflag:s4] =	ssyncset.done $0x0  }
0x1a: {  	s14 =	sshll.u32 s14, $0x6;
	s13 =	smax.u32 s13, $0x1;
	[sflag:s4] =	ssyncadd.s32 $0xFFFFE000  }
0x1b: {  	s14 =	sor.u32 s15, s14;
	p0 =	sne.s32 s13, $0x1;
	_ =	swait.ge [sflag:s10], $0x2000  }
.Ltmp0:
0x1c: {  	s14 =	sshrl.u32 s14, $0x3;
	[sflag:s10] =	ssyncset.done $0x0;
	(pc) =	sbr.rel @!p0 .LBB2_2-.Ltmp0, $4  }
0x1d: {  	s12 =	sadd.s32 s12, s14;
	[sflag:s10] =	ssyncadd.s32 $0xFFFFE000  }
0x1e: {  	[hbm4b:s12+s2] =	stream.linear.scatter [tilespmem:s9], [sflag:$0x2], $0x2000, $0x38;
	[tilespmem:$0x4100] =	vst v63  }
0x1f: {  	_ =	swait.ge [sflag:s4], $0x2000  }
0x20: {  	s13 =	sadd.s32 $0xFFFFFFFF, s13;
	[sflag:s4] =	ssyncset.done $0x0  }
.LBB2_1:
0x21: {  	p0 =	sne.s32 s13, $0x1;
	s13 =	sadd.s32 $0xFFFFFFFF, s13;
	[sflag:s4] =	ssyncadd.s32 $0xFFFFE000  }
0x22: {  	[tilespmem:s2], [sflag:$0x2] =	stream.linear.gather [hbm4b:s3+s2], $0x80, $0x38;
	[tilespmem:$0x4100] =	vst v63  }
0x23: {  	_ =	swait.ge [sflag:s4], $0x80  }
0x24: {  	[sflag:s4] =	ssyncset.done $0x0  }
0x25: {  	[sflag:s4] =	ssyncadd.s32 $0xFFFFFF80  }
0x26: {  	[tilespmem:s6], [sflag:$0x2] =	stream.linear.gather [hbm4b:s5+s2], $0x80, $0x38;
	[tilespmem:$0x4100] =	vst v63  }
0x27: {  	_ =	swait.ge [sflag:s4], $0x80  }
0x28: {  	[sflag:s4] =	ssyncset.done $0x0  }
0x29: {  	[sflag:s4] =	ssyncadd.s32 $0xFFFFFF80  }
0x2a: {  	[tilespmem:s8], [sflag:$0x1] =	stream.indirect.gather [hbm4b:s7+s6], $0x40, s2, s6, $0xb8;
	[tilespmem:$0x4100] =	vst v63  }
0x2b: {  	_ = 	snop  }
0x2c: {  	[tilespmem:s9], [sflag:$0x1] =	stream.indirect.gather [hbm4b:s7+s6], $0x40, s6, s6, $0xb8;
	[tilespmem:$0x4100] =	vst v63  }
0x2d: {  	_ =	swait.ge [sflag:s10], $0x2000  }
0x2e: {  	[sflag:s10] =	ssyncset.done $0x0  }
0x2f: {  	[sflag:s10] =	ssyncadd.s32 $0xFFFFE000  }
0x30: {  	[hbm4b:s11+s2] =	stream.linear.scatter [tilespmem:s8], [sflag:$0x2], $0x2000, $0x38;
	[tilespmem:$0x4100] =	vst v63  }
0x31: {  	_ =	swait.ge [sflag:s4], $0x2000  }
0x32: {  	[sflag:s4] =	ssyncset.done $0x0  }
0x33: {  	[sflag:s4] =	ssyncadd.s32 $0xFFFFE000  }
0x34: {  	_ =	swait.ge [sflag:s10], $0x2000  }
.Ltmp1:
0x35: {  	[sflag:s10] =	ssyncset.done $0x0;
	(pc) =	sbr.rel @p0 .LBB2_1-.Ltmp1, $4  }
0x36: {  	[sflag:s10] =	ssyncadd.s32 $0xFFFFE000  }
0x37: {  	[hbm4b:s12+s2] =	stream.linear.scatter [tilespmem:s9], [sflag:$0x2], $0x2000, $0x38;
	[tilespmem:$0x4100] =	vst v63  }
0x38: {  	_ =	swait.ge [sflag:s4], $0x2000  }
0x39: {  	[sflag:s4] =	ssyncset.done $0x0  }
.LBB2_2:
0x3a: {  	[sflag:s4] =	ssyncadd.s32 $0xFFFFE000  }
0x3b: {  	_ =	sfence.sel $0x180000  }
0x3c: {  	[bflag:$0x0] =	sbarrier.arrive $0xFFFF  }
0x3d: {  	p0 =	sne.s32 s0, $0x0;
	_ =	strace $0x90000047  }
0x3e: {  	s0 =	sadd.s32 @!p0 $0x100000, s1;
	[bflag:$0x2] =	sbarrier.arrive $0xFFFF  }
0x3f: {  	[sflag:s0] =	ssyncadd.tile.s32 @!p0 $0x1;
	_ =	shalt  }
.Lfunc_end2:
_tile_overlayer_lowered:
.L_overlay_start_2:
0x40: {  	(tag) =	ssettag $0x2  }
0x41: {  	s0 =	rddreg [dreg:$0x0];
	s2 =	stileid.u32  }
0x42: {  	s1 =	rddreg [dreg:$0x1];
	p0 =	sne.s32 s2, $0x0  }
0x43: {  	s3 =	rddreg [dreg:$0x2];
	[bflag:$0x3] =	sbarrier.arrive $0xFFFF;
	s2 =	simm.s32 @!p0 $0x1C02  }
0x44: {  	[timem:s3], [sflag:s2] =	dma.local @!p0 [hbm:s0], s1  }
0x45: {  	s0 =	simm.s32 @!p0 $0x2  }
0x46: {  	_ =	swait.ge @!p0 [sflag:s0], s1  }
0x47: {  	s1 =	ssub.s32 @!p0 $0x0, s1;
	[sflag:s0] =	ssyncset.done @!p0 $0x0  }
0x48: {  	[sflag:s0] =	ssyncadd.s32 @!p0 s1  }
0x49: {  	[bflag:$0x3] =	sbarrier.arrive $0xFFFF  }
0x4a: {  	_ =	shalt  }

</sc_bundles>
